<compile_context>
chip_gen: v7x
topology: tpu7x:2x2x1
jax: 0.10.2.dev20260603
libtpu: 0.0.44.dev20260713+nightly
codegen_flags: <defaults>
</compile_context>

<pallas_src>
import functools

import jax
import jax.numpy as jnp
from jax import lax
from jax.experimental import pallas as pl
from jax.experimental.pallas import tpu as pltpu
from jax.experimental.pallas import tpu_sc as plsc


SEQ_BLK = 512
CACHE_BLKS = 19
_NW = 32
_ROW_CHUNK = 32


def _sc_stats_kernel(seg0, seg1, w_per_seg, d, x2d_hbm, out_hbm,
                     buf_ref, acc_ref):
    cid = lax.axis_index("c")
    sid = lax.axis_index("s")
    wid = sid * 2 + cid
    (s0_0, per_0), (s0_1, per_1) = seg0, seg1
    in0 = wid < w_per_seg
    w_in = jnp.where(in0, wid, wid - w_per_seg)
    start = jnp.where(in0, s0_0 + w_in * per_0, s0_1 + w_in * per_1)
    nrows = jnp.where(in0, per_0, per_1)
    nstripes = d // 16
    zero16 = jnp.zeros((16,), jnp.float32)

    def init_body(st, _):
        acc_ref[0, pl.ds(st * 16, 16)] = zero16
        acc_ref[1, pl.ds(st * 16, 16)] = zero16
        return 0

    lax.fori_loop(0, nstripes, init_body, 0)

    def chunk_body(i, _):
        pltpu.sync_copy(
            x2d_hbm.at[pl.ds(start + i * _ROW_CHUNK, _ROW_CHUNK), :], buf_ref)

        def stripe_body(st, _):
            def row_body(r, carry):
                s_, q_ = carry
                v = buf_ref[r, pl.ds(st * 16, 16)]
                return s_ + v, q_ + v * v

            s_, q_ = lax.fori_loop(0, _ROW_CHUNK, row_body, (zero16, zero16))
            sl = pl.ds(st * 16, 16)
            acc_ref[0, sl] = acc_ref[0, sl] + s_
            acc_ref[1, sl] = acc_ref[1, sl] + q_
            return 0

        lax.fori_loop(0, nstripes, stripe_body, 0)
        return 0

    lax.fori_loop(0, nrows // _ROW_CHUNK, chunk_body, 0)
    pltpu.sync_copy(acc_ref, out_hbm.at[wid])


def _fused_body(scale, batch, nsb, x_ref, sc_ref, wk1_ref, bk1_ref, wk2_ref,
                bk2_ref, o_ref, k_ref, stats_ref, mask_ref, cache_ref):
    p = pl.program_id(0)
    b = pl.program_id(1)
    j = pl.program_id(2)
    linear = b * nsb + j
    d = x_ref.shape[-1]

    @pl.when((p == 0) & (linear == 0))
    def _zero():
        stats_ref[...] = jnp.zeros((2 * batch, d), jnp.float32)

    @pl.when((p == 0) & (linear < CACHE_BLKS))
    def _stats():
        blk = x_ref[0]
        psum = jnp.sum(blk, axis=0)
        psq = jnp.sum(blk * blk, axis=0)
        stats_ref[b, :] = stats_ref[b, :] + psum
        stats_ref[batch + b, :] = stats_ref[batch + b, :] + psq
        cache_ref[linear] = blk.astype(jnp.bfloat16)

    @pl.when((p == 1) & (linear == 0))
    def _gate():
        sc = sc_ref[...]
        bnd_b = CACHE_BLKS // nsb
        half = _NW // 2
        stats_ref[bnd_b, :] = (
            stats_ref[bnd_b, :] + jnp.sum(sc[0:half, 0, :], axis=0))
        stats_ref[batch + bnd_b, :] = (
            stats_ref[batch + bnd_b, :] + jnp.sum(sc[0:half, 1, :], axis=0))
        stats_ref[bnd_b + 1, :] = (
            stats_ref[bnd_b + 1, :] + jnp.sum(sc[half:, 0, :], axis=0))
        stats_ref[batch + bnd_b + 1, :] = (
            stats_ref[batch + bnd_b + 1, :] + jnp.sum(sc[half:, 1, :], axis=0))

        gs = jnp.sum(stats_ref[0:batch, :], axis=0, keepdims=True) * scale
        h = jax.lax.dot_general(gs, wk1_ref[...], (((1,), (1,)), ((), ())),
                                preferred_element_type=jnp.float32)
        h = jnp.maximum(h + bk1_ref[...], 0.0)
        logit = jnp.sum(h * wk2_ref[...], axis=1, keepdims=True)
        k = jax.nn.sigmoid(logit + bk2_ref[0])
        k_ref[...] = jnp.clip(k, 0.3, 1.0)

        norms = jnp.sqrt(stats_ref[batch:2 * batch, :])
        mu = jnp.mean(norms, axis=-1, keepdims=True)
        mask_ref[...] = jax.nn.sigmoid((norms - mu) * 10.0)

    @pl.when((p == 1) & (linear < CACHE_BLKS))
    def _mul_cached():
        o_ref[0] = cache_ref[linear].astype(jnp.float32) * mask_ref[b, :]

    @pl.when((p == 1) & (linear >= CACHE_BLKS))
    def _mul_stream():
        o_ref[0] = x_ref[0] * mask_ref[b, :]


def kernel(x, W1, b1, W2, b2, Wk1, bk1, Wk2, bk2):
    batch, seq, d = x.shape
    nsb = seq // SEQ_BLK

    bnd_b, bnd_j = CACHE_BLKS // nsb, CACHE_BLKS % nsb
    segs = [(bnd_b * seq + bnd_j * SEQ_BLK, seq - bnd_j * SEQ_BLK)]
    for bb in range(bnd_b + 1, batch):
        segs.append((bb * seq, seq))
    assert len(segs) == 2
    w_per_seg = _NW // len(segs)
    seg_specs = []
    for s0, nr in segs:
        per = nr // w_per_seg
        assert per % _ROW_CHUNK == 0 and per * w_per_seg == nr
        seg_specs.append((s0, per))

    x2d = x.reshape(batch * seq, d)
    sc_stats = pl.kernel(
        functools.partial(_sc_stats_kernel, seg_specs[0], seg_specs[1],
                          w_per_seg, d),
        out_type=jax.ShapeDtypeStruct((_NW, 2, d), jnp.float32),
        mesh=plsc.VectorSubcoreMesh(core_axis_name="c", subcore_axis_name="s"),
        scratch_types=[
            pltpu.VMEM((_ROW_CHUNK, d), jnp.float32),
            pltpu.VMEM((2, d), jnp.float32),
        ],
    )(x2d)

    def x_map(p, b, j):
        linear = b * nsb + j
        fetch = ((p == 0) & (linear < CACHE_BLKS)) | (
            (p == 1) & (linear >= CACHE_BLKS))
        last_b, last_j = (CACHE_BLKS - 1) // nsb, (CACHE_BLKS - 1) % nsb
        return (jnp.where(fetch, b, last_b), jnp.where(fetch, j, last_j), 0)

    def o_map(p, b, j):
        return jnp.where(p == 0, 0, b), jnp.where(p == 0, 0, j), 0

    pruned, k2 = pl.pallas_call(
        functools.partial(_fused_body, 1.0 / (batch * seq), batch, nsb),
        grid=(2, batch, nsb),
        in_specs=[
            pl.BlockSpec((1, SEQ_BLK, d), x_map),
            pl.BlockSpec((_NW, 2, d), lambda p, b, j: (0, 0, 0)),
            pl.BlockSpec(Wk1.shape, lambda p, b, j: (0, 0)),
            pl.BlockSpec((1, 64), lambda p, b, j: (0, 0)),
            pl.BlockSpec(Wk2.shape, lambda p, b, j: (0, 0)),
            pl.BlockSpec(memory_space=pltpu.SMEM),
        ],
        out_specs=[
            pl.BlockSpec((1, SEQ_BLK, d), o_map),
            pl.BlockSpec((1, 1), lambda p, b, j: (0, 0)),
        ],
        out_shape=[
            jax.ShapeDtypeStruct((batch, seq, d), jnp.float32),
            jax.ShapeDtypeStruct((1, 1), jnp.float32),
        ],
        scratch_shapes=[
            pltpu.VMEM((2 * batch, d), jnp.float32),
            pltpu.VMEM((batch, d), jnp.float32),
            pltpu.VMEM((CACHE_BLKS, SEQ_BLK, d), jnp.bfloat16),
        ],
        compiler_params=pltpu.CompilerParams(
            vmem_limit_bytes=64 * 1024 * 1024,
        ),
    )(x, sc_stats, Wk1, bk1.reshape(1, -1), Wk2, bk2)

    return pruned, k2.reshape(())

# --- scband reference (transcript-rebuilt; emitter-appended) ---
"""Pipeline reference for scband-dynamic-pruning-gate-15418932592968 (READ-ONLY COPY).

The authoritative reference and input builder live on the scoring server;
editing this copy changes nothing except your own understanding.
"""

import jax, jax.numpy as jnp
import numpy as np

BATCH, SEQ, D_MODEL = 4, 4096, 2048
INIT_K = 0.7

def setup_inputs(seed: int = 0) -> dict:
    key = jax.random.key(seed)
    ks = jax.random.split(key, 6)
    d4 = D_MODEL // 4
    x = jax.random.normal(ks[0], (BATCH, SEQ, D_MODEL), dtype=jnp.float32)
    W1 = jax.random.normal(ks[1], (d4, D_MODEL), dtype=jnp.float32) / np.sqrt(D_MODEL)
    b1 = jnp.zeros((d4,), dtype=jnp.float32)
    W2 = jax.random.normal(ks[2], (1, d4), dtype=jnp.float32) / np.sqrt(d4)
    b2 = jnp.zeros((1,), dtype=jnp.float32)
    Wk1 = jax.random.normal(ks[3], (64, D_MODEL), dtype=jnp.float32) / np.sqrt(D_MODEL)
    bk1 = jnp.zeros((64,), dtype=jnp.float32)
    Wk2 = jax.random.normal(ks[4], (1, 64), dtype=jnp.float32) / np.sqrt(64.0)
    bk2 = jnp.full((1,), float(np.log(INIT_K / (1.0 - INIT_K))), dtype=jnp.float32)
    return {"x": x, "W1": W1, "b1": b1, "W2": W2, "b2": b2,
            "Wk1": Wk1, "bk1": bk1, "Wk2": Wk2, "bk2": bk2}

def reference(x, W1, b1, W2, b2, Wk1, bk1, Wk2, bk2):
    batch, seq_len, d_model = x.shape
    # k_predictor on global mean stats
    global_stats = x.mean(axis=(0, 1))
    h = jax.nn.relu(global_stats @ Wk1.T + bk1)
    k = jax.nn.sigmoid(h @ Wk2.T + bk2).squeeze()
    k = jnp.clip(k, 0.3, 1.0)
    # stats_proj per-token importance (computed as in the original module)
    h1 = jax.nn.relu(x @ W1.T + b1)
    channel_importance = (h1 @ W2.T + b2).squeeze(-1)
    # channel norms over the sequence dimension
    channel_norms = jnp.sqrt(jnp.sum(x * x, axis=1))  # (batch, d_model)
    num_keep = jnp.floor(d_model * k).astype(jnp.int32)
    _, top_indices = jax.lax.top_k(channel_norms, d_model)
    keep_vals = (jnp.arange(d_model) < num_keep).astype(x.dtype)
    mask = jnp.zeros((batch, d_model), dtype=x.dtype)
    mask = mask.at[jnp.arange(batch)[:, None], top_indices].set(keep_vals[None, :])
    soft_mask = jax.nn.sigmoid((channel_norms - channel_norms.mean(axis=-1, keepdims=True)) * 10.0)
    mask_combined = mask + jax.lax.stop_gradient(soft_mask - mask)
    pruned_x = x * mask_combined[:, None, :]
    return (pruned_x, k)

if __name__ == "__main__":
    import jax
    _d = setup_inputs()
    print(jax.jit(kernel)(*tuple(_d.values())))

</pallas_src>

<mosaic_0001>
#map = affine_map<(d0, d1) -> (0, 0)>
#map1 = affine_map<(d0, d1) -> (0, 0, 0)>
module attributes {stable_mosaic.version = 14 : i64} {
  func.func @_sc_stats_kernel(%arg0: i32, %arg1: i32, %arg2: memref<16384x2048xf32, #tpu.memory_space<hbm>>, %arg3: memref<32x2x2048xf32, #tpu.memory_space<hbm>>, %arg4: memref<32x2048xf32, #tpu.memory_space<vmem>>, %arg5: memref<2x2048xf32, #tpu.memory_space<vmem>>) attributes {dimension_semantics = [#tpu.dimension_semantics<core_parallel>, #tpu.dimension_semantics<subcore_parallel>], iteration_bounds = array<i64: 2, 16>, scalar_prefetch = 0 : i64, scratch_operands = 2 : i64, tpu.core_type = #tpu.core_type<sc_vector_subcore>, window_params = [{transform_indices = #map}, {transform_indices = #map1}]} {
    %mul3A = arith.constant 2 : i32
    %mul3A_0 = arith.muli %arg1, %mul3A : i32
    %add3A = arith.addi %mul3A_0, %arg0 : i32
    %lt3A = arith.constant 16 : i32
    %lt3A_1 = arith.cmpi slt, %add3A, %lt3A : i32
    %sub3A = arith.constant 16 : i32
    %sub3A_2 = arith.subi %add3A, %sub3A : i32
    %select_n3A = arith.select %lt3A_1, %add3A, %sub3A_2 : i32
    %mul3A_3 = arith.constant 160 : i32
    %mul3A_4 = arith.muli %select_n3A, %mul3A_3 : i32
    %add3A_5 = arith.constant 9728 : i32
    %add3A_6 = arith.addi %add3A_5, %mul3A_4 : i32
    %mul3A_7 = arith.constant 256 : i32
    %mul3A_8 = arith.muli %select_n3A, %mul3A_7 : i32
    %add3A_9 = arith.constant 12288 : i32
    %add3A_10 = arith.addi %add3A_9, %mul3A_8 : i32
    %select_n3A_11 = arith.select %lt3A_1, %add3A_6, %add3A_10 : i32
    %jit3A = arith.constant 160 : i32
    %jit3A_12 = arith.constant 256 : i32
    %select_n3A_13 = arith.select %lt3A_1, %jit3A, %jit3A_12 : i32
    %broadcast_in_dim3A = arith.constant 0.000000e+00 : f32
    %broadcast_in_dim3A_14 = vector.broadcast %broadcast_in_dim3A : f32 to vector<16xf32>
    %scan3A = arith.constant 0 : i32
    %scan3A_15 = arith.constant 0 : i32
    %scan3A_16 = arith.constant 128 : i32
    %scan3A_17 = arith.addi %scan3A_15, %scan3A_16 : i32
    %scan3A_18 = arith.constant 1 : i32
    %scan3A_19 = scf.for %scan3A_51 = %scan3A_15 to %scan3A_17 step %scan3A_18 iter_args(%scan3A_52 = %scan3A) -> (i32)  : i32 {
      %mul3A_53 = arith.constant 16 : i32
      %mul3A_54 = arith.muli %scan3A_51, %mul3A_53 : i32
      %swap3A = arith.constant 0 : i32
      %swap3A_55 = arith.index_cast %swap3A : i32 to index
      %swap3A_56 = arith.index_cast %mul3A_54 : i32 to index
      %swap3A_57 = tpu.vector_load %arg5[%swap3A_55, %swap3A_56] {strides = array<i32>} : memref<2x2048xf32, #tpu.memory_space<vmem>>, vector<1x16xf32>,
      %swap3A_58 = vector.shape_cast %swap3A_57 : vector<1x16xf32> to vector<16xf32>
      %swap3A_59 = vector.shape_cast %broadcast_in_dim3A_14 : vector<16xf32> to vector<1x16xf32>
      tpu.vector_store %arg5[%swap3A_55, %swap3A_56], %swap3A_59 {strides = array<i32>} : memref<2x2048xf32, #tpu.memory_space<vmem>>, vector<1x16xf32>,
      %mul3A_60 = arith.constant 16 : i32
      %mul3A_61 = arith.muli %scan3A_51, %mul3A_60 : i32
      %swap3A_62 = arith.constant 1 : i32
      %swap3A_63 = arith.index_cast %swap3A_62 : i32 to index
      %swap3A_64 = arith.index_cast %mul3A_61 : i32 to index
      %swap3A_65 = tpu.vector_load %arg5[%swap3A_63, %swap3A_64] {strides = array<i32>} : memref<2x2048xf32, #tpu.memory_space<vmem>>, vector<1x16xf32>,
      %swap3A_66 = vector.shape_cast %swap3A_65 : vector<1x16xf32> to vector<16xf32>
      %swap3A_67 = vector.shape_cast %broadcast_in_dim3A_14 : vector<16xf32> to vector<1x16xf32>
      tpu.vector_store %arg5[%swap3A_63, %swap3A_64], %swap3A_67 {strides = array<i32>} : memref<2x2048xf32, #tpu.memory_space<vmem>>, vector<1x16xf32>,
      %scan3A_68 = arith.constant 0 : i32
      scf.yield %scan3A_68 : i32
    }
    %scan3A_20 = arith.constant 128 : i32
    %jit3A_21 = arith.constant 32 : i32
    %div3A = arith.divsi %select_n3A_13, %jit3A_21 : i32
    %sign3A = arith.constant 0 : i32
    %sign3A_22 = arith.cmpi sgt, %select_n3A_13, %sign3A : i32
    %sign3A_23 = arith.extui %sign3A_22 : i1 to i32
    %sign3A_24 = arith.constant 0 : i32
    %sign3A_25 = arith.cmpi slt, %select_n3A_13, %sign3A_24 : i32
    %sign3A_26 = arith.extui %sign3A_25 : i1 to i32
    %sign3A_27 = arith.subi %sign3A_23, %sign3A_26 : i32
    %sign3A_28 = arith.constant 0 : i32
    %sign3A_29 = arith.cmpi sgt, %jit3A_21, %sign3A_28 : i32
    %sign3A_30 = arith.extui %sign3A_29 : i1 to i32
    %sign3A_31 = arith.constant 0 : i32
    %sign3A_32 = arith.cmpi slt, %jit3A_21, %sign3A_31 : i32
    %sign3A_33 = arith.extui %sign3A_32 : i1 to i32
    %sign3A_34 = arith.subi %sign3A_30, %sign3A_33 : i32
    %ne3A = arith.cmpi ne, %sign3A_27, %sign3A_34 : i32
    %rem3A = arith.remsi %select_n3A_13, %jit3A_21 : i32
    %ne3A_35 = arith.constant 0 : i32
    %ne3A_36 = arith.cmpi ne, %rem3A, %ne3A_35 : i32
    %and3A = arith.andi %ne3A, %ne3A_36 : i1
    %sub3A_37 = arith.constant 1 : i32
    %sub3A_38 = arith.subi %div3A, %sub3A_37 : i32
    %select_n3A_39 = arith.select %and3A, %sub3A_38, %div3A : i32
    %while3A = arith.constant 0 : i32
    %while3A_40 = arith.constant 0 : i32
    %while3A_41 = arith.subi %select_n3A_39, %while3A : i32
    %while3A_42 = arith.addi %while3A, %while3A_41 : i32
    %while3A_43 = arith.constant 1 : i32
    %while3A_44 = arith.divsi %while3A_41, %while3A_43 : i32
    %while3A_45 = arith.muli %while3A_44, %while3A_43 : i32
    %while3A_46 = arith.addi %while3A, %while3A_45 : i32
    %while3A_47 = arith.constant 1 : i32
    %while3A_48 = scf.for %while3A_51 = %while3A to %while3A_46 step %while3A_47 iter_args(%while3A_52 = %while3A_40) -> (i32)  : i32 {
      %mul3A_53 = arith.constant 32 : i32
      %mul3A_54 = arith.muli %while3A_51, %mul3A_53 : i32
      %add3A_55 = arith.addi %select_n3A_11, %mul3A_54 : i32
      "tpu.region"() ({
        %run_scoped3A = tpu.sem_alloc : memref<!tpu.dma_semaphore, #tpu.memory_space<semaphore_mem>>
        %dma_start3A = arith.constant 0 : i32
        %dma_start3A_64 = tpu.memref_slice %arg2[%add3A_55, %dma_start3A] : memref<16384x2048xf32, #tpu.memory_space<hbm>> -> memref<32x2048xf32, #tpu.memory_space<hbm>>
        %dma_start3A_65 = arith.constant 0 : i32
        %dma_start3A_66 = tpu.memref_slice %arg2[%add3A_55, %dma_start3A_65] : memref<16384x2048xf32, #tpu.memory_space<hbm>> -> memref<32x2048xf32, #tpu.memory_space<hbm>>
        tpu.enqueue_dma source(%dma_start3A_66 : memref<32x2048xf32, #tpu.memory_space<hbm>>) target(%arg4 : memref<32x2048xf32, #tpu.memory_space<vmem>>) target_semaphore(%run_scoped3A : memref<!tpu.dma_semaphore, #tpu.memory_space<semaphore_mem>>)
        %dma_wait3A = arith.constant 0 : i32
        %dma_wait3A_67 = tpu.memref_slice %arg2[%add3A_55, %dma_wait3A] : memref<16384x2048xf32, #tpu.memory_space<hbm>> -> memref<32x2048xf32, #tpu.memory_space<hbm>>
        %dma_wait3A_68 = arith.constant 0 : i32
        %dma_wait3A_69 = tpu.memref_slice %arg2[%add3A_55, %dma_wait3A_68] : memref<16384x2048xf32, #tpu.memory_space<hbm>> -> memref<32x2048xf32, #tpu.memory_space<hbm>>
        tpu.wait_dma2 semaphore(%run_scoped3A : memref<!tpu.dma_semaphore, #tpu.memory_space<semaphore_mem>>) src(%dma_wait3A_69 : memref<32x2048xf32, #tpu.memory_space<hbm>>) dst(%arg4 : memref<32x2048xf32, #tpu.memory_space<vmem>>)
        tpu.yield
      }) : () -> ()
      %scan3A_56 = arith.constant 0 : i32
      %scan3A_57 = arith.constant 0 : i32
      %scan3A_58 = arith.constant 128 : i32
      %scan3A_59 = arith.addi %scan3A_57, %scan3A_58 : i32
      %scan3A_60 = arith.constant 1 : i32
      %scan3A_61 = scf.for %scan3A_64 = %scan3A_57 to %scan3A_59 step %scan3A_60 iter_args(%scan3A_65 = %scan3A_56) -> (i32)  : i32 {
        %scan3A_66 = arith.constant 0 : i32
        %scan3A_67 = arith.constant 32 : i32
        %scan3A_68 = arith.addi %scan3A_66, %scan3A_67 : i32
        %scan3A_69 = arith.constant 1 : i32
        %scan3A_70:2 = scf.for %scan3A_97 = %scan3A_66 to %scan3A_68 step %scan3A_69 iter_args(%scan3A_98 = %broadcast_in_dim3A_14, %scan3A_99 = %broadcast_in_dim3A_14) -> (vector<16xf32>, vector<16xf32>)  : i32 {
          %mul3A_100 = arith.constant 16 : i32
          %mul3A_101 = arith.muli %scan3A_64, %mul3A_100 : i32
          %get3A_102 = arith.index_cast %scan3A_97 : i32 to index
          %get3A_103 = arith.index_cast %mul3A_101 : i32 to index
          %get3A_104 = tpu.vector_load %arg4[%get3A_102, %get3A_103] {strides = array<i32>} : memref<32x2048xf32, #tpu.memory_space<vmem>>, vector<1x16xf32>,
          %get3A_105 = vector.shape_cast %get3A_104 : vector<1x16xf32> to vector<16xf32>
          %add3A_106 = arith.addf %scan3A_98, %get3A_105 : vector<16xf32>
          %mul3A_107 = arith.mulf %get3A_105, %get3A_105 : vector<16xf32>
          %add3A_108 = arith.addf %scan3A_99, %mul3A_107 : vector<16xf32>
          scf.yield %add3A_106, %add3A_108 : vector<16xf32>, vector<16xf32>
        }
        %scan3A_71 = arith.constant 32 : i32
        %mul3A_72 = arith.constant 16 : i32
        %mul3A_73 = arith.muli %scan3A_64, %mul3A_72 : i32
        %get3A = arith.constant 0 : i32
        %get3A_74 = arith.index_cast %get3A : i32 to index
        %get3A_75 = arith.index_cast %mul3A_73 : i32 to index
        %get3A_76 = tpu.vector_load %arg5[%get3A_74, %get3A_75] {strides = array<i32>} : memref<2x2048xf32, #tpu.memory_space<vmem>>, vector<1x16xf32>,
        %get3A_77 = vector.shape_cast %get3A_76 : vector<1x16xf32> to vector<16xf32>
        %add3A_78 = arith.addf %get3A_77, %scan3A_70#0 : vector<16xf32>
        %swap3A = arith.constant 0 : i32
        %swap3A_79 = arith.index_cast %swap3A : i32 to index
        %swap3A_80 = arith.index_cast %mul3A_73 : i32 to index
        %swap3A_81 = tpu.vector_load %arg5[%swap3A_79, %swap3A_80] {strides = array<i32>} : memref<2x2048xf32, #tpu.memory_space<vmem>>, vector<1x16xf32>,
        %swap3A_82 = vector.shape_cast %swap3A_81 : vector<1x16xf32> to vector<16xf32>
        %swap3A_83 = vector.shape_cast %add3A_78 : vector<16xf32> to vector<1x16xf32>
        tpu.vector_store %arg5[%swap3A_79, %swap3A_80], %swap3A_83 {strides = array<i32>} : memref<2x2048xf32, #tpu.memory_space<vmem>>, vector<1x16xf32>,
        %get3A_84 = arith.constant 1 : i32
        %get3A_85 = arith.index_cast %get3A_84 : i32 to index
        %get3A_86 = arith.index_cast %mul3A_73 : i32 to index
        %get3A_87 = tpu.vector_load %arg5[%get3A_85, %get3A_86] {strides = array<i32>} : memref<2x2048xf32, #tpu.memory_space<vmem>>, vector<1x16xf32>,
        %get3A_88 = vector.shape_cast %get3A_87 : vector<1x16xf32> to vector<16xf32>
        %add3A_89 = arith.addf %get3A_88, %scan3A_70#1 : vector<16xf32>
        %swap3A_90 = arith.constant 1 : i32
        %swap3A_91 = arith.index_cast %swap3A_90 : i32 to index
        %swap3A_92 = arith.index_cast %mul3A_73 : i32 to index
        %swap3A_93 = tpu.vector_load %arg5[%swap3A_91, %swap3A_92] {strides = array<i32>} : memref<2x2048xf32, #tpu.memory_space<vmem>>, vector<1x16xf32>,
        %swap3A_94 = vector.shape_cast %swap3A_93 : vector<1x16xf32> to vector<16xf32>
        %swap3A_95 = vector.shape_cast %add3A_89 : vector<16xf32> to vector<1x16xf32>
        tpu.vector_store %arg5[%swap3A_91, %swap3A_92], %swap3A_95 {strides = array<i32>} : memref<2x2048xf32, #tpu.memory_space<vmem>>, vector<1x16xf32>,
        %scan3A_96 = arith.constant 0 : i32
        scf.yield %scan3A_96 : i32
      }
      %scan3A_62 = arith.constant 128 : i32
      %while3A_63 = arith.constant 0 : i32
      scf.yield %while3A_63 : i32
    }
    %while3A_49 = arith.constant 1 : i32
    %while3A_50 = scf.for %while3A_51 = %while3A_46 to %while3A_42 step %while3A_49 iter_args(%while3A_52 = %while3A_48) -> (i32)  : i32 {
      %mul3A_53 = arith.constant 32 : i32
      %mul3A_54 = arith.muli %while3A_51, %mul3A_53 : i32
      %add3A_55 = arith.addi %select_n3A_11, %mul3A_54 : i32
      "tpu.region"() ({
        %run_scoped3A = tpu.sem_alloc : memref<!tpu.dma_semaphore, #tpu.memory_space<semaphore_mem>>
        %dma_start3A = arith.constant 0 : i32
        %dma_start3A_64 = tpu.memref_slice %arg2[%add3A_55, %dma_start3A] : memref<16384x2048xf32, #tpu.memory_space<hbm>> -> memref<32x2048xf32, #tpu.memory_space<hbm>>
        %dma_start3A_65 = arith.constant 0 : i32
        %dma_start3A_66 = tpu.memref_slice %arg2[%add3A_55, %dma_start3A_65] : memref<16384x2048xf32, #tpu.memory_space<hbm>> -> memref<32x2048xf32, #tpu.memory_space<hbm>>
        tpu.enqueue_dma source(%dma_start3A_66 : memref<32x2048xf32, #tpu.memory_space<hbm>>) target(%arg4 : memref<32x2048xf32, #tpu.memory_space<vmem>>) target_semaphore(%run_scoped3A : memref<!tpu.dma_semaphore, #tpu.memory_space<semaphore_mem>>)
        %dma_wait3A = arith.constant 0 : i32
        %dma_wait3A_67 = tpu.memref_slice %arg2[%add3A_55, %dma_wait3A] : memref<16384x2048xf32, #tpu.memory_space<hbm>> -> memref<32x2048xf32, #tpu.memory_space<hbm>>
        %dma_wait3A_68 = arith.constant 0 : i32
        %dma_wait3A_69 = tpu.memref_slice %arg2[%add3A_55, %dma_wait3A_68] : memref<16384x2048xf32, #tpu.memory_space<hbm>> -> memref<32x2048xf32, #tpu.memory_space<hbm>>
        tpu.wait_dma2 semaphore(%run_scoped3A : memref<!tpu.dma_semaphore, #tpu.memory_space<semaphore_mem>>) src(%dma_wait3A_69 : memref<32x2048xf32, #tpu.memory_space<hbm>>) dst(%arg4 : memref<32x2048xf32, #tpu.memory_space<vmem>>)
        tpu.yield
      }) : () -> ()
      %scan3A_56 = arith.constant 0 : i32
      %scan3A_57 = arith.constant 0 : i32
      %scan3A_58 = arith.constant 128 : i32
      %scan3A_59 = arith.addi %scan3A_57, %scan3A_58 : i32
      %scan3A_60 = arith.constant 1 : i32
      %scan3A_61 = scf.for %scan3A_64 = %scan3A_57 to %scan3A_59 step %scan3A_60 iter_args(%scan3A_65 = %scan3A_56) -> (i32)  : i32 {
        %scan3A_66 = arith.constant 0 : i32
        %scan3A_67 = arith.constant 32 : i32
        %scan3A_68 = arith.addi %scan3A_66, %scan3A_67 : i32
        %scan3A_69 = arith.constant 1 : i32
        %scan3A_70:2 = scf.for %scan3A_97 = %scan3A_66 to %scan3A_68 step %scan3A_69 iter_args(%scan3A_98 = %broadcast_in_dim3A_14, %scan3A_99 = %broadcast_in_dim3A_14) -> (vector<16xf32>, vector<16xf32>)  : i32 {
          %mul3A_100 = arith.constant 16 : i32
          %mul3A_101 = arith.muli %scan3A_64, %mul3A_100 : i32
          %get3A_102 = arith.index_cast %scan3A_97 : i32 to index
          %get3A_103 = arith.index_cast %mul3A_101 : i32 to index
          %get3A_104 = tpu.vector_load %arg4[%get3A_102, %get3A_103] {strides = array<i32>} : memref<32x2048xf32, #tpu.memory_space<vmem>>, vector<1x16xf32>,
          %get3A_105 = vector.shape_cast %get3A_104 : vector<1x16xf32> to vector<16xf32>
          %add3A_106 = arith.addf %scan3A_98, %get3A_105 : vector<16xf32>
          %mul3A_107 = arith.mulf %get3A_105, %get3A_105 : vector<16xf32>
          %add3A_108 = arith.addf %scan3A_99, %mul3A_107 : vector<16xf32>
          scf.yield %add3A_106, %add3A_108 : vector<16xf32>, vector<16xf32>
        }
        %scan3A_71 = arith.constant 32 : i32
        %mul3A_72 = arith.constant 16 : i32
        %mul3A_73 = arith.muli %scan3A_64, %mul3A_72 : i32
        %get3A = arith.constant 0 : i32
        %get3A_74 = arith.index_cast %get3A : i32 to index
        %get3A_75 = arith.index_cast %mul3A_73 : i32 to index
        %get3A_76 = tpu.vector_load %arg5[%get3A_74, %get3A_75] {strides = array<i32>} : memref<2x2048xf32, #tpu.memory_space<vmem>>, vector<1x16xf32>,
        %get3A_77 = vector.shape_cast %get3A_76 : vector<1x16xf32> to vector<16xf32>
        %add3A_78 = arith.addf %get3A_77, %scan3A_70#0 : vector<16xf32>
        %swap3A = arith.constant 0 : i32
        %swap3A_79 = arith.index_cast %swap3A : i32 to index
        %swap3A_80 = arith.index_cast %mul3A_73 : i32 to index
        %swap3A_81 = tpu.vector_load %arg5[%swap3A_79, %swap3A_80] {strides = array<i32>} : memref<2x2048xf32, #tpu.memory_space<vmem>>, vector<1x16xf32>,
        %swap3A_82 = vector.shape_cast %swap3A_81 : vector<1x16xf32> to vector<16xf32>
        %swap3A_83 = vector.shape_cast %add3A_78 : vector<16xf32> to vector<1x16xf32>
        tpu.vector_store %arg5[%swap3A_79, %swap3A_80], %swap3A_83 {strides = array<i32>} : memref<2x2048xf32, #tpu.memory_space<vmem>>, vector<1x16xf32>,
        %get3A_84 = arith.constant 1 : i32
        %get3A_85 = arith.index_cast %get3A_84 : i32 to index
        %get3A_86 = arith.index_cast %mul3A_73 : i32 to index
        %get3A_87 = tpu.vector_load %arg5[%get3A_85, %get3A_86] {strides = array<i32>} : memref<2x2048xf32, #tpu.memory_space<vmem>>, vector<1x16xf32>,
        %get3A_88 = vector.shape_cast %get3A_87 : vector<1x16xf32> to vector<16xf32>
        %add3A_89 = arith.addf %get3A_88, %scan3A_70#1 : vector<16xf32>
        %swap3A_90 = arith.constant 1 : i32
        %swap3A_91 = arith.index_cast %swap3A_90 : i32 to index
        %swap3A_92 = arith.index_cast %mul3A_73 : i32 to index
        %swap3A_93 = tpu.vector_load %arg5[%swap3A_91, %swap3A_92] {strides = array<i32>} : memref<2x2048xf32, #tpu.memory_space<vmem>>, vector<1x16xf32>,
        %swap3A_94 = vector.shape_cast %swap3A_93 : vector<1x16xf32> to vector<16xf32>
        %swap3A_95 = vector.shape_cast %add3A_89 : vector<16xf32> to vector<1x16xf32>
        tpu.vector_store %arg5[%swap3A_91, %swap3A_92], %swap3A_95 {strides = array<i32>} : memref<2x2048xf32, #tpu.memory_space<vmem>>, vector<1x16xf32>,
        %scan3A_96 = arith.constant 0 : i32
        scf.yield %scan3A_96 : i32
      }
      %scan3A_62 = arith.constant 128 : i32
      %while3A_63 = arith.constant 0 : i32
      scf.yield %while3A_63 : i32
    }
    "tpu.region"() ({
      %run_scoped3A = tpu.sem_alloc : memref<!tpu.dma_semaphore, #tpu.memory_space<semaphore_mem>>
      %dma_start3A = arith.constant 0 : i32
      %dma_start3A_51 = arith.constant 0 : i32
      %dma_start3A_52 = tpu.memref_slice %arg3[%add3A, %dma_start3A, %dma_start3A_51] : memref<32x2x2048xf32, #tpu.memory_space<hbm>> -> memref<1x2x2048xf32, #tpu.memory_space<hbm>>
      %dma_start3A_53 = tpu.memref_squeeze %dma_start3A_52 : memref<1x2x2048xf32, #tpu.memory_space<hbm>> -> memref<2x2048xf32, #tpu.memory_space<hbm>>
      %dma_start3A_54 = arith.constant 0 : i32
      %dma_start3A_55 = arith.constant 0 : i32
      %dma_start3A_56 = tpu.memref_slice %arg3[%add3A, %dma_start3A_54, %dma_start3A_55] : memref<32x2x2048xf32, #tpu.memory_space<hbm>> -> memref<1x2x2048xf32, #tpu.memory_space<hbm>>
      %dma_start3A_57 = tpu.memref_squeeze %dma_start3A_56 : memref<1x2x2048xf32, #tpu.memory_space<hbm>> -> memref<2x2048xf32, #tpu.memory_space<hbm>>
      tpu.enqueue_dma source(%arg5 : memref<2x2048xf32, #tpu.memory_space<vmem>>) target(%dma_start3A_57 : memref<2x2048xf32, #tpu.memory_space<hbm>>) target_semaphore(%run_scoped3A : memref<!tpu.dma_semaphore, #tpu.memory_space<semaphore_mem>>)
      %dma_wait3A = arith.constant 0 : i32
      %dma_wait3A_58 = arith.constant 0 : i32
      %dma_wait3A_59 = tpu.memref_slice %arg3[%add3A, %dma_wait3A, %dma_wait3A_58] : memref<32x2x2048xf32, #tpu.memory_space<hbm>> -> memref<1x2x2048xf32, #tpu.memory_space<hbm>>
      %dma_wait3A_60 = tpu.memref_squeeze %dma_wait3A_59 : memref<1x2x2048xf32, #tpu.memory_space<hbm>> -> memref<2x2048xf32, #tpu.memory_space<hbm>>
      %dma_wait3A_61 = arith.constant 0 : i32
      %dma_wait3A_62 = arith.constant 0 : i32
      %dma_wait3A_63 = tpu.memref_slice %arg3[%add3A, %dma_wait3A_61, %dma_wait3A_62] : memref<32x2x2048xf32, #tpu.memory_space<hbm>> -> memref<1x2x2048xf32, #tpu.memory_space<hbm>>
      %dma_wait3A_64 = tpu.memref_squeeze %dma_wait3A_63 : memref<1x2x2048xf32, #tpu.memory_space<hbm>> -> memref<2x2048xf32, #tpu.memory_space<hbm>>
      tpu.wait_dma2 semaphore(%run_scoped3A : memref<!tpu.dma_semaphore, #tpu.memory_space<semaphore_mem>>) src(%arg5 : memref<2x2048xf32, #tpu.memory_space<vmem>>) dst(%dma_wait3A_64 : memref<2x2048xf32, #tpu.memory_space<hbm>>)
      tpu.yield
    }) : () -> ()
    return
  }
}

module attributes {stable_mosaic.version = 14 : i64} {
  func.func @_fused_body(%arg0: i32, %arg1: i32, %arg2: i32, %arg3: memref<1x512x2048xf32, #tpu.memory_space<vmem>>, %arg4: memref<32x2x2048xf32, #tpu.memory_space<vmem>>, %arg5: memref<64x2048xf32, #tpu.memory_space<vmem>>, %arg6: memref<1x64xf32, #tpu.memory_space<vmem>>, %arg7: memref<1x64xf32, #tpu.memory_space<vmem>>, %arg8: memref<1xf32, #tpu.memory_space<smem>>, %arg9: memref<1x512x2048xf32, #tpu.memory_space<vmem>>, %arg10: memref<1x1xf32, #tpu.memory_space<vmem>>, %arg11: memref<8x2048xf32, #tpu.memory_space<vmem>>, %arg12: memref<4x2048xf32, #tpu.memory_space<vmem>>, %arg13: memref<19x512x2048xbf16, #tpu.memory_space<vmem>>) attributes {dimension_semantics = [#tpu.dimension_semantics<arbitrary>, #tpu.dimension_semantics<arbitrary>, #tpu.dimension_semantics<arbitrary>], iteration_bounds = array<i64: 2, 4, 8>, scalar_prefetch = 0 : i64, scratch_operands = 3 : i64, tpu.core_type = #tpu.core_type<tc>, window_params = [{transform_indices = @transform_0, window_bounds = array<i64: 1, 512, 2048>}, {pipeline_mode = #tpu.pipeline_mode<synchronous>, transform_indices = @transform_1, window_bounds = array<i64: 32, 2, 2048>}, {pipeline_mode = #tpu.pipeline_mode<synchronous>, transform_indices = @transform_2, window_bounds = array<i64: 64, 2048>}, {pipeline_mode = #tpu.pipeline_mode<synchronous>, transform_indices = @transform_3, window_bounds = array<i64: 1, 64>}, {pipeline_mode = #tpu.pipeline_mode<synchronous>, transform_indices = @transform_4, window_bounds = array<i64: 1, 64>}, {transform_indices = @transform_5, window_bounds = array<i64: 1>}, {transform_indices = @transform_6, window_bounds = array<i64: 1, 512, 2048>}, {pipeline_mode = #tpu.pipeline_mode<synchronous>, transform_indices = @transform_7, window_bounds = array<i64: 1, 1>}]} {
    %mul3A = arith.constant 8 : i32
    %mul3A_0 = arith.muli %arg1, %mul3A : i32
    %add3A = arith.addi %mul3A_0, %arg2 : i32
    %eq3A = arith.constant 0 : i32
    %eq3A_1 = arith.cmpi eq, %arg0, %eq3A : i32
    %eq3A_2 = arith.constant 0 : i32
    %eq3A_3 = arith.cmpi eq, %add3A, %eq3A_2 : i32
    %and3A = arith.andi %eq3A_1, %eq3A_3 : i1
    %convert_element_type3A = arith.extui %and3A : i1 to i32
    %cond3A = arith.constant 0 : i32
    %cond3A_4 = arith.cmpi ne, %convert_element_type3A, %cond3A : i32
    scf.if %cond3A_4 {
      %broadcast_in_dim3A = arith.constant 0.000000e+00 : f32
      %broadcast_in_dim3A_35 = vector.broadcast %broadcast_in_dim3A : f32 to vector<8x2048xf32>
      %swap3A = arith.constant 0 : index
      %swap3A_36 = arith.constant 0 : index
      %swap3A_37 = vector.load %arg11[%swap3A, %swap3A_36] : memref<8x2048xf32, #tpu.memory_space<vmem>>, vector<8x2048xf32>
      tpu.vector_store %arg11[%swap3A, %swap3A_36], %broadcast_in_dim3A_35 {strides = array<i32>} : memref<8x2048xf32, #tpu.memory_space<vmem>>, vector<8x2048xf32>,
    } else {
    }
    %eq3A_5 = arith.constant 0 : i32
    %eq3A_6 = arith.cmpi eq, %arg0, %eq3A_5 : i32
    %lt3A = arith.constant 19 : i32
    %lt3A_7 = arith.cmpi slt, %add3A, %lt3A : i32
    %and3A_8 = arith.andi %eq3A_6, %lt3A_7 : i1
    %convert_element_type3A_9 = arith.extui %and3A_8 : i1 to i32
    %cond3A_10 = arith.constant 0 : i32
    %cond3A_11 = arith.cmpi ne, %convert_element_type3A_9, %cond3A_10 : i32
    scf.if %cond3A_11 {
      %get3A = arith.constant 0 : index
      %get3A_35 = arith.constant 0 : index
      %get3A_36 = arith.constant 0 : index
      %get3A_37 = vector.load %arg3[%get3A, %get3A_35, %get3A_36] : memref<1x512x2048xf32, #tpu.memory_space<vmem>>, vector<1x512x2048xf32>
      %get3A_38 = vector.shape_cast %get3A_37 : vector<1x512x2048xf32> to vector<512x2048xf32>
      %reduce_sum3A = arith.constant dense<0.000000e+00> : vector<2048xf32>
      %reduce_sum3A_39 = vector.multi_reduction <add>, %get3A_38, %reduce_sum3A [0] : vector<512x2048xf32> to vector<2048xf32>
      %mul3A_40 = arith.mulf %get3A_38, %get3A_38 : vector<512x2048xf32>
      %reduce_sum3A_41 = arith.constant dense<0.000000e+00> : vector<2048xf32>
      %reduce_sum3A_42 = vector.multi_reduction <add>, %mul3A_40, %reduce_sum3A_41 [0] : vector<512x2048xf32> to vector<2048xf32>
      %get3A_43 = arith.index_cast %arg1 : i32 to index
      %get3A_44 = arith.constant 0 : index
      %get3A_45 = vector.load %arg11[%get3A_43, %get3A_44] : memref<8x2048xf32, #tpu.memory_space<vmem>>, vector<1x2048xf32>
      %get3A_46 = vector.shape_cast %get3A_45 : vector<1x2048xf32> to vector<2048xf32>
      %add3A_47 = arith.addf %get3A_46, %reduce_sum3A_39 : vector<2048xf32>
      %swap3A = arith.index_cast %arg1 : i32 to index
      %swap3A_48 = arith.constant 0 : index
      %swap3A_49 = vector.load %arg11[%swap3A, %swap3A_48] : memref<8x2048xf32, #tpu.memory_space<vmem>>, vector<1x2048xf32>
      %swap3A_50 = vector.shape_cast %swap3A_49 : vector<1x2048xf32> to vector<2048xf32>
      %swap3A_51 = vector.shape_cast %add3A_47 : vector<2048xf32> to vector<1x2048xf32>
      tpu.vector_store %arg11[%swap3A, %swap3A_48], %swap3A_51 {strides = array<i32>} : memref<8x2048xf32, #tpu.memory_space<vmem>>, vector<1x2048xf32>,
      %add3A_52 = arith.constant 4 : i32
      %add3A_53 = arith.addi %add3A_52, %arg1 : i32
      %get3A_54 = arith.index_cast %add3A_53 : i32 to index
      %get3A_55 = arith.constant 0 : index
      %get3A_56 = vector.load %arg11[%get3A_54, %get3A_55] : memref<8x2048xf32, #tpu.memory_space<vmem>>, vector<1x2048xf32>
      %get3A_57 = vector.shape_cast %get3A_56 : vector<1x2048xf32> to vector<2048xf32>
      %add3A_58 = arith.addf %get3A_57, %reduce_sum3A_42 : vector<2048xf32>
      %add3A_59 = arith.constant 4 : i32
      %add3A_60 = arith.addi %add3A_59, %arg1 : i32
      %swap3A_61 = arith.index_cast %add3A_60 : i32 to index
      %swap3A_62 = arith.constant 0 : index
      %swap3A_63 = vector.load %arg11[%swap3A_61, %swap3A_62] : memref<8x2048xf32, #tpu.memory_space<vmem>>, vector<1x2048xf32>
      %swap3A_64 = vector.shape_cast %swap3A_63 : vector<1x2048xf32> to vector<2048xf32>
      %swap3A_65 = vector.shape_cast %add3A_58 : vector<2048xf32> to vector<1x2048xf32>
      tpu.vector_store %arg11[%swap3A_61, %swap3A_62], %swap3A_65 {strides = array<i32>} : memref<8x2048xf32, #tpu.memory_space<vmem>>, vector<1x2048xf32>,
      %convert_element_type3A_66 = arith.truncf %get3A_38 : vector<512x2048xf32> to vector<512x2048xbf16>
      %swap3A_67 = arith.index_cast %add3A : i32 to index
      %swap3A_68 = arith.constant 0 : index
      %swap3A_69 = arith.constant 0 : index
      %swap3A_70 = vector.load %arg13[%swap3A_67, %swap3A_68, %swap3A_69] : memref<19x512x2048xbf16, #tpu.memory_space<vmem>>, vector<1x512x2048xbf16>
      %swap3A_71 = vector.shape_cast %swap3A_70 : vector<1x512x2048xbf16> to vector<512x2048xbf16>
      %swap3A_72 = vector.shape_cast %convert_element_type3A_66 : vector<512x2048xbf16> to vector<1x512x2048xbf16>
      tpu.vector_store %arg13[%swap3A_67, %swap3A_68, %swap3A_69], %swap3A_72 {strides = array<i32>} : memref<19x512x2048xbf16, #tpu.memory_space<vmem>>, vector<1x512x2048xbf16>,
    } else {
    }
    %eq3A_12 = arith.constant 1 : i32
    %eq3A_13 = arith.cmpi eq, %arg0, %eq3A_12 : i32
    %eq3A_14 = arith.constant 0 : i32
    %eq3A_15 = arith.cmpi eq, %add3A, %eq3A_14 : i32
    %and3A_16 = arith.andi %eq3A_13, %eq3A_15 : i1
    %convert_element_type3A_17 = arith.extui %and3A_16 : i1 to i32
    %cond3A_18 = arith.constant 0 : i32
    %cond3A_19 = arith.cmpi ne, %convert_element_type3A_17, %cond3A_18 : i32
    scf.if %cond3A_19 {
      %get3A = arith.constant 0 : index
      %get3A_35 = arith.constant 0 : index
      %get3A_36 = arith.constant 0 : index
      %get3A_37 = vector.load %arg4[%get3A, %get3A_35, %get3A_36] : memref<32x2x2048xf32, #tpu.memory_space<vmem>>, vector<32x2x2048xf32>
      %get3A_38 = arith.constant 2 : index
      %get3A_39 = arith.constant 0 : index
      %get3A_40 = vector.load %arg11[%get3A_38, %get3A_39] : memref<8x2048xf32, #tpu.memory_space<vmem>>, vector<1x2048xf32>
      %get3A_41 = vector.shape_cast %get3A_40 : vector<1x2048xf32> to vector<2048xf32>
      %slice3A = vector.extract_strided_slice %get3A_37 {offsets = [0, 0, 0], sizes = [16, 1, 2048], strides = [1, 1, 1]} : vector<32x2x2048xf32> to vector<16x1x2048xf32>
      %squeeze3A = vector.shape_cast %slice3A : vector<16x1x2048xf32> to vector<16x2048xf32>
      %reduce_sum3A = arith.constant dense<0.000000e+00> : vector<2048xf32>
      %reduce_sum3A_42 = vector.multi_reduction <add>, %squeeze3A, %reduce_sum3A [0] : vector<16x2048xf32> to vector<2048xf32>
      %add3A_43 = arith.addf %get3A_41, %reduce_sum3A_42 : vector<2048xf32>
      %swap3A = arith.constant 2 : index
      %swap3A_44 = arith.constant 0 : index
      %swap3A_45 = vector.load %arg11[%swap3A, %swap3A_44] : memref<8x2048xf32, #tpu.memory_space<vmem>>, vector<1x2048xf32>
      %swap3A_46 = vector.shape_cast %swap3A_45 : vector<1x2048xf32> to vector<2048xf32>
      %swap3A_47 = vector.shape_cast %add3A_43 : vector<2048xf32> to vector<1x2048xf32>
      tpu.vector_store %arg11[%swap3A, %swap3A_44], %swap3A_47 {strides = array<i32>} : memref<8x2048xf32, #tpu.memory_space<vmem>>, vector<1x2048xf32>,
      %get3A_48 = arith.constant 6 : index
      %get3A_49 = arith.constant 0 : index
      %get3A_50 = vector.load %arg11[%get3A_48, %get3A_49] : memref<8x2048xf32, #tpu.memory_space<vmem>>, vector<1x2048xf32>
      %get3A_51 = vector.shape_cast %get3A_50 : vector<1x2048xf32> to vector<2048xf32>
      %slice3A_52 = vector.extract_strided_slice %get3A_37 {offsets = [0, 1, 0], sizes = [16, 1, 2048], strides = [1, 1, 1]} : vector<32x2x2048xf32> to vector<16x1x2048xf32>
      %squeeze3A_53 = vector.shape_cast %slice3A_52 : vector<16x1x2048xf32> to vector<16x2048xf32>
      %reduce_sum3A_54 = arith.constant dense<0.000000e+00> : vector<2048xf32>
      %reduce_sum3A_55 = vector.multi_reduction <add>, %squeeze3A_53, %reduce_sum3A_54 [0] : vector<16x2048xf32> to vector<2048xf32>
      %add3A_56 = arith.addf %get3A_51, %reduce_sum3A_55 : vector<2048xf32>
      %swap3A_57 = arith.constant 6 : index
      %swap3A_58 = arith.constant 0 : index
      %swap3A_59 = vector.load %arg11[%swap3A_57, %swap3A_58] : memref<8x2048xf32, #tpu.memory_space<vmem>>, vector<1x2048xf32>
      %swap3A_60 = vector.shape_cast %swap3A_59 : vector<1x2048xf32> to vector<2048xf32>
      %swap3A_61 = vector.shape_cast %add3A_56 : vector<2048xf32> to vector<1x2048xf32>
      tpu.vector_store %arg11[%swap3A_57, %swap3A_58], %swap3A_61 {strides = array<i32>} : memref<8x2048xf32, #tpu.memory_space<vmem>>, vector<1x2048xf32>,
      %get3A_62 = arith.constant 3 : index
      %get3A_63 = arith.constant 0 : index
      %get3A_64 = vector.load %arg11[%get3A_62, %get3A_63] : memref<8x2048xf32, #tpu.memory_space<vmem>>, vector<1x2048xf32>
      %get3A_65 = vector.shape_cast %get3A_64 : vector<1x2048xf32> to vector<2048xf32>
      %slice3A_66 = vector.extract_strided_slice %get3A_37 {offsets = [16, 0, 0], sizes = [16, 1, 2048], strides = [1, 1, 1]} : vector<32x2x2048xf32> to vector<16x1x2048xf32>
      %squeeze3A_67 = vector.shape_cast %slice3A_66 : vector<16x1x2048xf32> to vector<16x2048xf32>
      %reduce_sum3A_68 = arith.constant dense<0.000000e+00> : vector<2048xf32>
      %reduce_sum3A_69 = vector.multi_reduction <add>, %squeeze3A_67, %reduce_sum3A_68 [0] : vector<16x2048xf32> to vector<2048xf32>
      %add3A_70 = arith.addf %get3A_65, %reduce_sum3A_69 : vector<2048xf32>
      %swap3A_71 = arith.constant 3 : index
      %swap3A_72 = arith.constant 0 : index
      %swap3A_73 = vector.load %arg11[%swap3A_71, %swap3A_72] : memref<8x2048xf32, #tpu.memory_space<vmem>>, vector<1x2048xf32>
      %swap3A_74 = vector.shape_cast %swap3A_73 : vector<1x2048xf32> to vector<2048xf32>
      %swap3A_75 = vector.shape_cast %add3A_70 : vector<2048xf32> to vector<1x2048xf32>
      tpu.vector_store %arg11[%swap3A_71, %swap3A_72], %swap3A_75 {strides = array<i32>} : memref<8x2048xf32, #tpu.memory_space<vmem>>, vector<1x2048xf32>,
      %get3A_76 = arith.constant 7 : index
      %get3A_77 = arith.constant 0 : index
      %get3A_78 = vector.load %arg11[%get3A_76, %get3A_77] : memref<8x2048xf32, #tpu.memory_space<vmem>>, vector<1x2048xf32>
      %get3A_79 = vector.shape_cast %get3A_78 : vector<1x2048xf32> to vector<2048xf32>
      %slice3A_80 = vector.extract_strided_slice %get3A_37 {offsets = [16, 1, 0], sizes = [16, 1, 2048], strides = [1, 1, 1]} : vector<32x2x2048xf32> to vector<16x1x2048xf32>
      %squeeze3A_81 = vector.shape_cast %slice3A_80 : vector<16x1x2048xf32> to vector<16x2048xf32>
      %reduce_sum3A_82 = arith.constant dense<0.000000e+00> : vector<2048xf32>
      %reduce_sum3A_83 = vector.multi_reduction <add>, %squeeze3A_81, %reduce_sum3A_82 [0] : vector<16x2048xf32> to vector<2048xf32>
      %add3A_84 = arith.addf %get3A_79, %reduce_sum3A_83 : vector<2048xf32>
      %swap3A_85 = arith.constant 7 : index
      %swap3A_86 = arith.constant 0 : index
      %swap3A_87 = vector.load %arg11[%swap3A_85, %swap3A_86] : memref<8x2048xf32, #tpu.memory_space<vmem>>, vector<1x2048xf32>
      %swap3A_88 = vector.shape_cast %swap3A_87 : vector<1x2048xf32> to vector<2048xf32>
      %swap3A_89 = vector.shape_cast %add3A_84 : vector<2048xf32> to vector<1x2048xf32>
      tpu.vector_store %arg11[%swap3A_85, %swap3A_86], %swap3A_89 {strides = array<i32>} : memref<8x2048xf32, #tpu.memory_space<vmem>>, vector<1x2048xf32>,
      %get3A_90 = arith.constant 0 : index
      %get3A_91 = arith.constant 0 : index
      %get3A_92 = vector.load %arg11[%get3A_90, %get3A_91] : memref<8x2048xf32, #tpu.memory_space<vmem>>, vector<4x2048xf32>
      %reduce_sum3A_93 = arith.constant dense<0.000000e+00> : vector<2048xf32>
      %reduce_sum3A_94 = vector.multi_reduction <add>, %get3A_92, %reduce_sum3A_93 [0] : vector<4x2048xf32> to vector<2048xf32>
      %broadcast_in_dim3A = vector.shape_cast %reduce_sum3A_94 : vector<2048xf32> to vector<1x2048xf32>
      %mul3A_95 = arith.constant 6.10351563E-5 : f32
      %mul3A_96 = vector.broadcast %mul3A_95 : f32 to vector<1x2048xf32>
      %mul3A_97 = arith.mulf %broadcast_in_dim3A, %mul3A_96 : vector<1x2048xf32>
      %get3A_98 = arith.constant 0 : index
      %get3A_99 = arith.constant 0 : index
      %get3A_100 = vector.load %arg5[%get3A_98, %get3A_99] : memref<64x2048xf32, #tpu.memory_space<vmem>>, vector<64x2048xf32>
      %dot_general3A = arith.constant dense<0.000000e+00> : vector<1x64xf32>
      %dot_general3A_101 = tpu.matmul %mul3A_97, %get3A_100, %dot_general3A {dimension_numbers = #tpu.dot_dimension_numbers<[1], [1], [0], [0], [0, 0, 1, 0], [], []>, transpose_lhs_hint = false} : vector<1x2048xf32>, vector<64x2048xf32>, vector<1x64xf32> -> vector<1x64xf32>
      %get3A_102 = arith.constant 0 : index
      %get3A_103 = arith.constant 0 : index
      %get3A_104 = vector.load %arg6[%get3A_102, %get3A_103] : memref<1x64xf32, #tpu.memory_space<vmem>>, vector<1x64xf32>
      %add3A_105 = arith.addf %dot_general3A_101, %get3A_104 : vector<1x64xf32>
      %max3A = arith.constant 0.000000e+00 : f32
      %max3A_106 = vector.broadcast %max3A : f32 to vector<1x64xf32>
      %max3A_107 = arith.maximumf %add3A_105, %max3A_106 : vector<1x64xf32>
      %get3A_108 = arith.constant 0 : index
      %get3A_109 = arith.constant 0 : index
      %get3A_110 = vector.load %arg7[%get3A_108, %get3A_109] : memref<1x64xf32, #tpu.memory_space<vmem>>, vector<1x64xf32>
      %mul3A_111 = arith.mulf %max3A_107, %get3A_110 : vector<1x64xf32>
      %reduce_sum3A_112 = arith.constant dense<0.000000e+00> : vector<1xf32>
      %reduce_sum3A_113 = vector.multi_reduction <add>, %mul3A_111, %reduce_sum3A_112 [1] : vector<1x64xf32> to vector<1xf32>
      %broadcast_in_dim3A_114 = vector.shape_cast %reduce_sum3A_113 : vector<1xf32> to vector<1x1xf32>
      %get3A_115 = arith.constant 0 : index
      %get3A_116 = memref.load %arg8[%get3A_115] : memref<1xf32, #tpu.memory_space<smem>>
      %add3A_117 = vector.broadcast %get3A_116 : f32 to vector<1x1xf32>
      %add3A_118 = arith.addf %broadcast_in_dim3A_114, %add3A_117 : vector<1x1xf32>
      %logistic3A = arith.negf %add3A_118 : vector<1x1xf32>
      %logistic3A_119 = math.exp %logistic3A : vector<1x1xf32>
      %logistic3A_120 = arith.constant 1.000000e+00 : f32
      %logistic3A_121 = vector.broadcast %logistic3A_120 : f32 to vector<1x1xf32>
      %logistic3A_122 = arith.addf %logistic3A_121, %logistic3A_119 : vector<1x1xf32>
      %logistic3A_123 = arith.divf %logistic3A_121, %logistic3A_122 : vector<1x1xf32>
      %jit3A = arith.constant 3.000000e-01 : f32
      %jit3A_124 = arith.constant 1.000000e+00 : f32
      %max3A_125 = vector.broadcast %jit3A : f32 to vector<1x1xf32>
      %max3A_126 = arith.maximumf %max3A_125, %logistic3A_123 : vector<1x1xf32>
      %min3A = vector.broadcast %jit3A_124 : f32 to vector<1x1xf32>
      %min3A_127 = arith.minimumf %min3A, %max3A_126 : vector<1x1xf32>
      %swap3A_128 = arith.constant 0 : index
      %swap3A_129 = arith.constant 0 : index
      %swap3A_130 = vector.load %arg10[%swap3A_128, %swap3A_129] : memref<1x1xf32, #tpu.memory_space<vmem>>, vector<1x1xf32>
      tpu.vector_store %arg10[%swap3A_128, %swap3A_129], %min3A_127 {strides = array<i32>} : memref<1x1xf32, #tpu.memory_space<vmem>>, vector<1x1xf32>,
      %get3A_131 = arith.constant 4 : index
      %get3A_132 = arith.constant 0 : index
      %get3A_133 = vector.load %arg11[%get3A_131, %get3A_132] : memref<8x2048xf32, #tpu.memory_space<vmem>>, vector<4x2048xf32>
      %sqrt3A = math.sqrt %get3A_133 : vector<4x2048xf32>
      %reduce_sum3A_134 = arith.constant dense<0.000000e+00> : vector<4xf32>
      %reduce_sum3A_135 = vector.multi_reduction <add>, %sqrt3A, %reduce_sum3A_134 [1] : vector<4x2048xf32> to vector<4xf32>
      %broadcast_in_dim3A_136 = vector.shape_cast %reduce_sum3A_135 : vector<4xf32> to vector<4x1xf32>
      %div3A = arith.constant 2.048000e+03 : f32
      %div3A_137 = vector.broadcast %div3A : f32 to vector<4x1xf32>
      %div3A_138 = arith.divf %broadcast_in_dim3A_136, %div3A_137 : vector<4x1xf32>
      %sub3A = vector.broadcast %div3A_138 : vector<4x1xf32> to vector<4x2048xf32>
      %sub3A_139 = arith.subf %sqrt3A, %sub3A : vector<4x2048xf32>
      %mul3A_140 = arith.constant 1.000000e+01 : f32
      %mul3A_141 = vector.broadcast %mul3A_140 : f32 to vector<4x2048xf32>
      %mul3A_142 = arith.mulf %sub3A_139, %mul3A_141 : vector<4x2048xf32>
      %logistic3A_143 = arith.negf %mul3A_142 : vector<4x2048xf32>
      %logistic3A_144 = math.exp %logistic3A_143 : vector<4x2048xf32>
      %logistic3A_145 = arith.constant 1.000000e+00 : f32
      %logistic3A_146 = vector.broadcast %logistic3A_145 : f32 to vector<4x2048xf32>
      %logistic3A_147 = arith.addf %logistic3A_146, %logistic3A_144 : vector<4x2048xf32>
      %logistic3A_148 = arith.divf %logistic3A_146, %logistic3A_147 : vector<4x2048xf32>
      %swap3A_149 = arith.constant 0 : index
      %swap3A_150 = arith.constant 0 : index
      %swap3A_151 = vector.load %arg12[%swap3A_149, %swap3A_150] : memref<4x2048xf32, #tpu.memory_space<vmem>>, vector<4x2048xf32>
      tpu.vector_store %arg12[%swap3A_149, %swap3A_150], %logistic3A_148 {strides = array<i32>} : memref<4x2048xf32, #tpu.memory_space<vmem>>, vector<4x2048xf32>,
    } else {
    }
    %eq3A_20 = arith.constant 1 : i32
    %eq3A_21 = arith.cmpi eq, %arg0, %eq3A_20 : i32
    %lt3A_22 = arith.constant 19 : i32
    %lt3A_23 = arith.cmpi slt, %add3A, %lt3A_22 : i32
    %and3A_24 = arith.andi %eq3A_21, %lt3A_23 : i1
    %convert_element_type3A_25 = arith.extui %and3A_24 : i1 to i32
    %cond3A_26 = arith.constant 0 : i32
    %cond3A_27 = arith.cmpi ne, %convert_element_type3A_25, %cond3A_26 : i32
    scf.if %cond3A_27 {
      %get3A = arith.index_cast %add3A : i32 to index
      %get3A_35 = arith.constant 0 : index
      %get3A_36 = arith.constant 0 : index
      %get3A_37 = vector.load %arg13[%get3A, %get3A_35, %get3A_36] : memref<19x512x2048xbf16, #tpu.memory_space<vmem>>, vector<1x512x2048xbf16>
      %get3A_38 = vector.shape_cast %get3A_37 : vector<1x512x2048xbf16> to vector<512x2048xbf16>
      %convert_element_type3A_39 = arith.extf %get3A_38 : vector<512x2048xbf16> to vector<512x2048xf32>
      %get3A_40 = arith.index_cast %arg1 : i32 to index
      %get3A_41 = arith.constant 0 : index
      %get3A_42 = vector.load %arg12[%get3A_40, %get3A_41] : memref<4x2048xf32, #tpu.memory_space<vmem>>, vector<1x2048xf32>
      %get3A_43 = vector.shape_cast %get3A_42 : vector<1x2048xf32> to vector<2048xf32>
      %broadcast_in_dim3A = vector.shape_cast %get3A_43 : vector<2048xf32> to vector<1x2048xf32>
      %mul3A_44 = vector.broadcast %broadcast_in_dim3A : vector<1x2048xf32> to vector<512x2048xf32>
      %mul3A_45 = arith.mulf %convert_element_type3A_39, %mul3A_44 : vector<512x2048xf32>
      %swap3A = arith.constant 0 : index
      %swap3A_46 = arith.constant 0 : index
      %swap3A_47 = arith.constant 0 : index
      %swap3A_48 = vector.load %arg9[%swap3A, %swap3A_46, %swap3A_47] : memref<1x512x2048xf32, #tpu.memory_space<vmem>>, vector<1x512x2048xf32>
      %swap3A_49 = vector.shape_cast %swap3A_48 : vector<1x512x2048xf32> to vector<512x2048xf32>
      %swap3A_50 = vector.shape_cast %mul3A_45 : vector<512x2048xf32> to vector<1x512x2048xf32>
      tpu.vector_store %arg9[%swap3A, %swap3A_46, %swap3A_47], %swap3A_50 {strides = array<i32>} : memref<1x512x2048xf32, #tpu.memory_space<vmem>>, vector<1x512x2048xf32>,
    } else {
    }
    %eq3A_28 = arith.constant 1 : i32
    %eq3A_29 = arith.cmpi eq, %arg0, %eq3A_28 : i32
    %ge3A = arith.constant 19 : i32
    %ge3A_30 = arith.cmpi sge, %add3A, %ge3A : i32
    %and3A_31 = arith.andi %eq3A_29, %ge3A_30 : i1
    %convert_element_type3A_32 = arith.extui %and3A_31 : i1 to i32
    %cond3A_33 = arith.constant 0 : i32
    %cond3A_34 = arith.cmpi ne, %convert_element_type3A_32, %cond3A_33 : i32
    scf.if %cond3A_34 {
      %get3A = arith.constant 0 : index
      %get3A_35 = arith.constant 0 : index
      %get3A_36 = arith.constant 0 : index
      %get3A_37 = vector.load %arg3[%get3A, %get3A_35, %get3A_36] : memref<1x512x2048xf32, #tpu.memory_space<vmem>>, vector<1x512x2048xf32>
      %get3A_38 = vector.shape_cast %get3A_37 : vector<1x512x2048xf32> to vector<512x2048xf32>
      %get3A_39 = arith.index_cast %arg1 : i32 to index
      %get3A_40 = arith.constant 0 : index
      %get3A_41 = vector.load %arg12[%get3A_39, %get3A_40] : memref<4x2048xf32, #tpu.memory_space<vmem>>, vector<1x2048xf32>
      %get3A_42 = vector.shape_cast %get3A_41 : vector<1x2048xf32> to vector<2048xf32>
      %broadcast_in_dim3A = vector.shape_cast %get3A_42 : vector<2048xf32> to vector<1x2048xf32>
      %mul3A_43 = vector.broadcast %broadcast_in_dim3A : vector<1x2048xf32> to vector<512x2048xf32>
      %mul3A_44 = arith.mulf %get3A_38, %mul3A_43 : vector<512x2048xf32>
      %swap3A = arith.constant 0 : index
      %swap3A_45 = arith.constant 0 : index
      %swap3A_46 = arith.constant 0 : index
      %swap3A_47 = vector.load %arg9[%swap3A, %swap3A_45, %swap3A_46] : memref<1x512x2048xf32, #tpu.memory_space<vmem>>, vector<1x512x2048xf32>
      %swap3A_48 = vector.shape_cast %swap3A_47 : vector<1x512x2048xf32> to vector<512x2048xf32>
      %swap3A_49 = vector.shape_cast %mul3A_44 : vector<512x2048xf32> to vector<1x512x2048xf32>
      tpu.vector_store %arg9[%swap3A, %swap3A_45, %swap3A_46], %swap3A_49 {strides = array<i32>} : memref<1x512x2048xf32, #tpu.memory_space<vmem>>, vector<1x512x2048xf32>,
    } else {
    }
    return
  }
  func.func @transform_0(%arg0: i32, %arg1: i32, %arg2: i32) -> (i32, i32, i32) {
    %mul3A = arith.constant 8 : i32
    %mul3A_0 = arith.muli %arg1, %mul3A : i32
    %add3A = arith.addi %mul3A_0, %arg2 : i32
    %eq3A = arith.constant 0 : i32
    %eq3A_1 = arith.cmpi eq, %arg0, %eq3A : i32
    %lt3A = arith.constant 19 : i32
    %lt3A_2 = arith.cmpi slt, %add3A, %lt3A : i32
    %and3A = arith.andi %eq3A_1, %lt3A_2 : i1
    %eq3A_3 = arith.constant 1 : i32
    %eq3A_4 = arith.cmpi eq, %arg0, %eq3A_3 : i32
    %ge3A = arith.constant 19 : i32
    %ge3A_5 = arith.cmpi sge, %add3A, %ge3A : i32
    %and3A_6 = arith.andi %eq3A_4, %ge3A_5 : i1
    %or3A = arith.ori %and3A, %and3A_6 : i1
    %jit3A = arith.constant 2 : i32
    %select_n3A = arith.select %or3A, %arg1, %jit3A : i32
    %jit3A_7 = arith.constant 2 : i32
    %select_n3A_8 = arith.select %or3A, %arg2, %jit3A_7 : i32
    %c0_i32 = arith.constant 0 : i32
    %c0_i32_9 = arith.constant 0 : i32
    return %select_n3A, %select_n3A_8, %c0_i32 : i32, i32, i32
  }
  func.func @transform_1(%arg0: i32, %arg1: i32, %arg2: i32) -> (i32, i32, i32) {
    %c0_i32 = arith.constant 0 : i32
    %c0_i32_0 = arith.constant 0 : i32
    %c0_i32_1 = arith.constant 0 : i32
    %c0_i32_2 = arith.constant 0 : i32
    return %c0_i32, %c0_i32_0, %c0_i32_1 : i32, i32, i32
  }
  func.func @transform_2(%arg0: i32, %arg1: i32, %arg2: i32) -> (i32, i32) {
    %c0_i32 = arith.constant 0 : i32
    %c0_i32_0 = arith.constant 0 : i32
    %c0_i32_1 = arith.constant 0 : i32
    return %c0_i32, %c0_i32_0 : i32, i32
  }
  func.func @transform_3(%arg0: i32, %arg1: i32, %arg2: i32) -> (i32, i32) {
    %c0_i32 = arith.constant 0 : i32
    %c0_i32_0 = arith.constant 0 : i32
    %c0_i32_1 = arith.constant 0 : i32
    return %c0_i32, %c0_i32_0 : i32, i32
  }
  func.func @transform_4(%arg0: i32, %arg1: i32, %arg2: i32) -> (i32, i32) {
    %c0_i32 = arith.constant 0 : i32
    %c0_i32_0 = arith.constant 0 : i32
    %c0_i32_1 = arith.constant 0 : i32
    return %c0_i32, %c0_i32_0 : i32, i32
  }
  func.func @transform_5(%arg0: i32, %arg1: i32, %arg2: i32) -> i32 {
    %c0_i32 = arith.constant 0 : i32
    %c0_i32_0 = arith.constant 0 : i32
    return %c0_i32 : i32
  }
  func.func @transform_6(%arg0: i32, %arg1: i32, %arg2: i32) -> (i32, i32, i32) {
    %eq3A = arith.constant 0 : i32
    %eq3A_0 = arith.cmpi eq, %arg0, %eq3A : i32
    %jit3A = arith.constant 0 : i32
    %select_n3A = arith.select %eq3A_0, %jit3A, %arg1 : i32
    %eq3A_1 = arith.constant 0 : i32
    %eq3A_2 = arith.cmpi eq, %arg0, %eq3A_1 : i32
    %jit3A_3 = arith.constant 0 : i32
    %select_n3A_4 = arith.select %eq3A_2, %jit3A_3, %arg2 : i32
    %c0_i32 = arith.constant 0 : i32
    %c0_i32_5 = arith.constant 0 : i32
    return %select_n3A, %select_n3A_4, %c0_i32 : i32, i32, i32
  }
  func.func @transform_7(%arg0: i32, %arg1: i32, %arg2: i32) -> (i32, i32) {
    %c0_i32 = arith.constant 0 : i32
    %c0_i32_0 = arith.constant 0 : i32
    %c0_i32_1 = arith.constant 0 : i32
    return %c0_i32, %c0_i32_0 : i32, i32
  }
}

</mosaic_0001>

<sc_bundles>
// kernel: kernel.4.cloned.1.call-start
scs
__scs_entry_jumppad:
0x0: {  	(pc) =	sbr.rel $0x88, $3  }
0x1: {  	(tag) =	ssettag $0x0;
	lr =	simm.s32 $0x1  }
0x2: {  	[smem:$0x3F9C] =	sst lr;
	_ =	strace $0xD0000000  }
0x3: {  	_ = 	snop  }
0x4: {  	_ = 	snop  }
0x5: {  	_ = 	snop  }
0x6: {  	_ = 	snop  }
0x7: {  	_ = 	snop  }
__scs_overlays_trampoline_lowered:
0x8: {  	[smem:$0x3FAB] =	sst s0  }
0x9: {  	[smem:$0x3FAC] =	sst s1  }
0xa: {  	[smem:$0x3FAD] =	sst s2  }
0xb: {  	[smem:$0x3FAE] =	sst s3  }
0xc: {  	[smem:$0x3FAF] =	sst s4  }
0xd: {  	[smem:$0x3FB0] =	sst s5  }
0xe: {  	[smem:$0x3FB1] =	sst s6  }
0xf: {  	[smem:$0x3FB2] =	sst s7  }
0x10: {  	[smem:$0x3FB3] =	sst s8  }
0x11: {  	[smem:$0x3FB4] =	sst s9;
	s0 =	simm.s32 @!p0 $0x0  }
0x12: {  	s1 =	sld [smem:$0x3F9A];
	s0 =	simm.s32 @p0 $0x1  }
0x13: {  	[smem:$0x3FB5] =	sst s0;
	s0 =	simm.s32 @!p1 $0x0  }
0x14: {  	s2 =	sld [smem:$0x3F99];
	s0 =	simm.s32 @p1 $0x1  }
0x15: {  	[smem:$0x3FB6] =	sst s0;
	s0 =	simm.s32 @!p2 $0x0  }
0x16: {  	s3 =	sld [smem:$0x3FDB];
	s0 =	simm.s32 @p2 $0x1  }
0x17: {  	s4 =	simm.s32 $0x1BF5;
	[smem:$0x3FB8] =	sst s0  }
0x18: {  	s0 =	sld [smem:$0x3F9B];
	_ =	swait.ge [sflag:s4], $0x0  }
0x19: {  	s7 =	sld [smem:$0x3F9C]  }
0x1a: {  	s8 =	sadd.s32 $0xFFFFE003, lr  }
0x1b: {  	s9 =	sadd.s32 $0xFFFFFEF7, lr;
	s5 =	simm.s32 $0xFFFFFFFF;
	p2 =	slt.u32 s8, $0xFFFFF086  }
0x1c: {  	p1 =	slt.u32 s9, $0xF7A;
	s5 =	simm.s32 @!p2 $0x0  }
0x1d: {  	s5 =	simm.s32 @p1 $0x1;
	p0 =	seq.s32 s7, s2  }
0x1e: {  	s7 =	smul.u32 @!p0 $0xF7A, s2;
	p2 =	seq.s32 @!p0 s5, $0x0  }
0x1f: {  	s9 =	smul.u32 $0xF7A, s1;
	s8 =	simm.s32 @!p0 $0x1BF5;
	p2 =	por !p2, p0  }
0x20: {  	[sflag:s8] =	ssyncset.s32 @!p0 $0xFFFFF086;
	s6 =	sadd.s32 @!p0 s3, s7;
	s7 =	simm.s32 @!p0 $0x108  }
0x21: {  	s3 =	sadd.s32 s3, s9;
	s6 =	sadd.s32 @!p0 $0x88, s6;
	s7 =	simm.s32 @p2 $0x1082  }
0x22: {  	[simem:s7], [sflag:s8] =	dma.local @!p0 [hbm:s6], $0xF7A  }
0x23: {  	s9 =	sor.u32 $0xD0000000, s2;
	s6 =	simm.s32 $0x108;
	_ =	swait.ge @!p0 [sflag:s8], $0x0  }
0x24: {  	s3 =	sadd.s32 $0x88, s3;
	s6 =	simm.s32 @!p1 $0x1082;
	[sflag:s4] =	ssyncset.s32 $0xFFFFF086  }
0x25: {  	[simem:s6], [sflag:s4] =	dma.local [hbm:s3], $0xF7A  }
0x26: {  	[smem:$0x3F9C] =	sst s1;
	(tag) =	ssettag s2;
	_ =	strace s9  }
0x27: {  	s1 =	sld [smem:$0x3FAC]  }
0x28: {  	s2 =	sld [smem:$0x3FAD]  }
0x29: {  	s4 =	sld [smem:$0x3FAF]  }
0x2a: {  	p0 =	seq.s32 s5, $0x0;
	s5 =	sld [smem:$0x3FB0]  }
0x2b: {  	s6 =	sld [smem:$0x3FB1]  }
0x2c: {  	s7 =	sld [smem:$0x3FB2]  }
0x2d: {  	s3 =	simm.s32 $0x108;
	s8 =	sld [smem:$0x3FB3]  }
0x2e: {  	s3 =	simm.s32 @!p0 $0x1082;
	s9 =	sld [smem:$0x3FB4]  }
0x2f: {  	lr =	sadd.s32 s0, s3;
	s0 =	sld [smem:$0x3FAB]  }
0x30: {  	s3 =	sld [smem:$0x3FAE]  }
0x31: {  	[smem:$0x3FB7] =	sst s10  }
0x32: {  	s10 =	sld [smem:$0x3FB5];
	_ =	sdelay $0x3  }
0x33: {  	p0 =	seq.s32 s10, $0x1;
	s10 =	sld [smem:$0x3FB7];
	_ =	sdelay $0x3  }
0x34: {  	[smem:$0x3FB7] =	sst s10  }
0x35: {  	s10 =	sld [smem:$0x3FB6];
	_ =	sdelay $0x3  }
0x36: {  	p1 =	seq.s32 s10, $0x1;
	s10 =	sld [smem:$0x3FB7];
	_ =	sdelay $0x3  }
0x37: {  	[smem:$0x3FB7] =	sst s10  }
0x38: {  	s10 =	sld [smem:$0x3FB8]  }
0x39: {  	_ = 	snop;
	(pc) =	sbr.ind lr, $3  }
0x3a: {  	_ = 	snop  }
0x3b: {  	_ = 	snop  }
0x3c: {  	p2 =	seq.s32 s10, $0x1;
	s10 =	sld [smem:$0x3FB7]  }
0x3d: {  	_ =	shalt  }
0x3e: {  	_ =	shalt  }
0x3f: {  	_ =	shalt  }
0x40: {  	_ =	shalt  }
0x41: {  	_ =	shalt  }
0x42: {  	_ =	shalt  }
0x43: {  	_ =	shalt  }
0x44: {  	_ =	shalt  }
0x45: {  	_ =	shalt  }
0x46: {  	_ =	shalt  }
0x47: {  	_ =	shalt  }
0x48: {  	_ =	shalt  }
0x49: {  	_ =	shalt  }
0x4a: {  	_ =	shalt  }
0x4b: {  	_ =	shalt  }
0x4c: {  	_ =	shalt  }
0x4d: {  	_ =	shalt  }
0x4e: {  	_ =	shalt  }
0x4f: {  	_ =	shalt  }
0x50: {  	_ =	shalt  }
0x51: {  	_ =	shalt  }
0x52: {  	_ =	shalt  }
0x53: {  	_ =	shalt  }
0x54: {  	_ =	shalt  }
0x55: {  	_ =	shalt  }
0x56: {  	_ =	shalt  }
0x57: {  	_ =	shalt  }
0x58: {  	_ =	shalt  }
0x59: {  	_ =	shalt  }
0x5a: {  	_ =	shalt  }
0x5b: {  	_ =	shalt  }
0x5c: {  	_ =	shalt  }
0x5d: {  	_ =	shalt  }
0x5e: {  	_ =	shalt  }
0x5f: {  	_ =	shalt  }
0x60: {  	_ =	shalt  }
0x61: {  	_ =	shalt  }
0x62: {  	_ =	shalt  }
0x63: {  	_ =	shalt  }
0x64: {  	_ =	shalt  }
0x65: {  	_ =	shalt  }
0x66: {  	_ =	shalt  }
0x67: {  	_ =	shalt  }
0x68: {  	_ =	shalt  }
0x69: {  	_ =	shalt  }
0x6a: {  	_ =	shalt  }
0x6b: {  	_ =	shalt  }
0x6c: {  	_ =	shalt  }
0x6d: {  	_ =	shalt  }
0x6e: {  	_ =	shalt  }
0x6f: {  	_ =	shalt  }
0x70: {  	_ =	shalt  }
0x71: {  	_ =	shalt  }
0x72: {  	_ =	shalt  }
0x73: {  	_ =	shalt  }
0x74: {  	_ =	shalt  }
0x75: {  	_ =	shalt  }
0x76: {  	_ =	shalt  }
0x77: {  	_ =	shalt  }
0x78: {  	_ =	shalt  }
0x79: {  	_ =	shalt  }
0x7a: {  	_ =	shalt  }
0x7b: {  	_ =	shalt  }
0x7c: {  	_ =	shalt  }
0x7d: {  	_ =	shalt  }
0x7e: {  	_ =	shalt  }
0x7f: {  	_ =	shalt  }
0x80: {  	_ =	shalt  }
0x81: {  	_ =	shalt  }
0x82: {  	_ =	shalt  }
0x83: {  	_ =	shalt  }
0x84: {  	_ =	shalt  }
0x85: {  	_ =	shalt  }
0x86: {  	_ =	shalt  }
0x87: {  	_ =	shalt  }
.Lfunc_end0:
.L_simem_size_0:
called_computation_lowered:
.L_overlay_start_0:
0x88: {  	s2 =	sld [smem:$0x3FD9]  }
0x89: {  	s3 =	sld [smem:$0x3FFE];
	_ =	sdelay $0x1  }
0x8a: {  	s1 =	srdreg.scid  }
0x8b: {  	s0 =	sand.u32 $0x1, s1  }
0x8c: {  	s17 =	sshll.u32 s0, $0xA;
	s2 =	sadd.s32 s3, s2  }
0x8d: {  	s2 =	sadd.s32 s2, s17  }
0x8e: {  	[smem:$0x3FC3] =	sst s2  }
0x8f: {  	_ = 	snop  }
0x90: {  	s2 =	sld [smem:$0x3FC9];
	(tm) =	ssettm $0x1  }
0x91: {  	s18 =	sld [smem:$0x3FFB];
	_ =	sdelay $0x3  }
0x92: {  	_ =	strace s18  }
0x93: {  	s3 =	sld [smem:$0x3FFC];
	_ =	sdelay $0x3  }
0x94: {  	_ =	strace s3  }
0x95: {  	s3 =	sld [smem:$0x3FFD];
	_ =	sdelay $0x3  }
0x96: {  	_ =	strace s3  }
0x97: {  	_ =	strace $0x8FFFFFFF  }
0x98: {  	s19 =	sld [smem:$0x3FDB];
	_ =	sdelay $0x1  }
0x99: {  	s4 =	simm.s32 $_scs_section_size  }
0x9a: {  	s5 =	simm.s32 $_size__tile_overlayer_lowered;
	s6 =	simm.s32 $_tile_overlayer_lowered  }
0x9b: {  	s22 =	simm.s32 $0x1BFF;
	s21 =	sshll.u32 s6, $0x1;
	s3 =	sadd.s32 s4, s19  }
0x9c: {  	s7 =	simm.s32 $0x0;
	s20 =	sshll.u32 s5, $0x1;
	s5 =	sadd.s32 s21, s3  }
0x9d: {  	[timem:s7], [sflag:s22] =	dma.local [hbm:s5], s20  }
0x9e: {  	_ =	swait.ge [sflag:s22], s20  }
0x9f: {  	s4 =	ssub.s32 $0x0, s20;
	[sflag:s22] =	ssyncset.done $0x0  }
0xa0: {  	[sflag:s22] =	ssyncadd.s32 s4;
	_ =	sdelay $0x1  }
0xa1: {  	s23 =	simm.s32 $0x1B8B  }
0xa2: {  	_ =	swait.ge [sflag:s23], $0x1  }
0xa3: {  	[sflag:s23] =	ssyncset.done $0x0  }
0xa4: {  	s25 =	simm.s32 $0x1B8E;
	s24 =	sld [smem:$0x3FFE];
	[sflag:s23] =	ssyncadd.s32 $0xFFFFFFFF  }
0xa5: {  	s26 =	simm.s32 $execute0_lowered;
	[smem:$0x3FD2] =	sst s25  }
0xa6: {  	s5 =	sshll.u32 s26, $0x1;
	_ =	strace $0x80000046;
	[dreg:$0x1] =	wrdreg $0xFFFFFFFF  }
0xa7: {  	s28 =	simm.s32 $_size_execute0_lowered;
	s3 =	sadd.s32 s3, s5;
	[dreg:$0x0] =	wrdreg $0x0  }
0xa8: {  	s5 =	sshll.u32 s28, $0x1;
	[dreg:$0x2] =	wrdreg s3  }
0xa9: {  	[dreg:$0x3] =	wrdreg s5  }
0xaa: {  	[dreg:$0x4] =	wrdreg $0xC0  }
0xab: {  	_ =	task [dreg:s7], $0x5FFFF  }
0xac: {  	[dreg:$0x1] =	wrdreg $0xFFFFFFFF  }
0xad: {  	[dreg:$0x0] =	wrdreg $0x60  }
0xae: {  	[dreg:$0x2] =	wrdreg s2  }
0xaf: {  	[dreg:$0x3] =	wrdreg s24  }
0xb0: {  	[dreg:$0x4] =	wrdreg $0x9  }
0xb1: {  	_ =	task.clear_ibuf [dreg:s7], $0x5FFFF;
	_ =	strace $0x90000046  }
0xb2: {  	s29 =	simm.s32 $0x9;
	_ =	strace $0x80000048  }
0xb3: {  	_ =	swait.ge [sflag:s29], $0x1  }
0xb4: {  	[sflag:s29] =	ssyncadd.s32 $0xFFFFFFFF  }
0xb5: {  	_ =	strace $0x90000048  }
0xb6: {  	_ =	sfence  }
0xb7: {  	s30 =	sld [smem:$0x0];
	_ =	sdelay $0x2  }
0xb8: {  	s31 =	sshll.u32 s1, $0xD;
	s1 =	sshrl.u32 s1, $0x2  }
0xb9: {  	s3 =	sand.u32 $0x4000, s31;
	s1 =	sadd.s32 s1, s30  }
0xba: {  	s0 =	sor.u32 s3, s0;
	s1 =	sshll.u32 s1, $0x11  }
0xbb: {  	s0 =	sor.u32 s1, s0  }
0xbc: {  	s0 =	sadd.s32 $0x8F2B, s0  }
0xbd: {  	[sflag:s0] =	ssyncadd.remote.s32 $0x1  }
0xbe: {  	_ =	sfence.sel $0xFFFF  }
0xbf: {  	[dreg:$0x0] =	wrdreg $0xFFFFFFFF;
	(pc) =	sbr.abs _section_cstart, $3  }
0xc0: {  	[dreg:$0x1] =	wrdreg $0xFFFFFFFF  }
0xc1: {  	_ =	task.clear_ibuf [dreg:s7], $0x2FFFF;
	_ =	strace $0x9FFFFFFF  }
0xc2: {  	(tm) =	ssettm $0x7FFFFFFF  }
0xc3: {  	_ =	shalt  }
tec
execute0_lowered:
.L_overlay_start_1:
0x0: {  	(tag) =	ssettag $0x1  }
0x1: {  	s2 =	rddreg [dreg:$0x0];
	s1 =	srdreg.scid  }
0x2: {  	s0 =	stileid.u32;
	s4 =	rddreg [dreg:$0x1];
	s3 =	simm.s32 $0x0  }
0x3: {  	s5 =	sand.u32 $0x1, s1;
	s6 =	sshll.u32 s0, $0x1;
	s1 =	rddreg [dreg:$0x2]  }
0x4: {  	s10 =	simm.s32 $0x0;
	[smem:$0x7FF] =	sst s3;
	s6 =	sor.u32 s5, s6  }
0x5: {  	p0 =	slt.u32 s0, $0x8;
	s5 =	ssub.s32 $0x2, s5;
	s7 =	sadd.s32 $0xFFFFFFF0, s6  }
0x6: {  	_ =	strace $0x80000047;
	s9 =	sshrl.u32 s5, $0x1;
	s7 =	smov.u32 @p0 s6  }
0x7: {  	s6 =	sshll.u32 s6, $0x9;
	s9 =	ssub.s32 s5, s9;
	s8 =	smul.u32 $0xA0, s7  }
0x8: {  	s6 =	sadd.s32 s6, s4;
	s31 =	sshll.u32 s7, $0x8;
	s4 =	simm.s32 $0x5  }
0x9: {  	s4 =	simm.s32 @!p0 $0x8;
	s7 =	sadd.s32 $0x2600, s8;
	s8 =	sadd.s32 $0x3000, s31  }
0xa: {  	s6 =	sadd.s32 $0x600, s6;
	s8 =	smov.u32 @p0 s7;
	s7 =	smax.u32 s9, $0x1  }
0xb: {  	v0 =	vimm.f32 $0.0e+00;
	s9 =	simm.s32 $0x10000;
	s5 =	sshll.u32 s8, $0xB;
	s8 =	simm.s32 $0x1  }
.LBB2_1:
0xc: {  	s11 =	sand.u32 $0x70, s3;
	s12 =	sand.u32 $0xF00, s3  }
0xd: {  	s11 =	sor.u32 s11, s12  }
0xe: {  	[tilespmem:s11+$0x10080] =	vst v0  }
0xf: {  	s13 =	simm.s32 $0x0;
	s12 =	simm.s32 $0x10;
	[tilespmem:s11+$0x10000] =	vst v0  }
.LBB2_2:
0x10: {  	p0 =	sne.s32 s12, $0x7F0  }
.Ltmp0:
0x11: {  	s11 =	sand.u32 $0x70, s12;
	s13 =	sadd.s32 $0x20, s13;
	(pc) =	sbr.rel @p0 .LBB2_2-.Ltmp0, $4  }
0x12: {  	s12 =	sadd.s32 $0x10, s12;
	s14 =	sand.u32 $0xF00, s13  }
0x13: {  	s14 =	sor.u32 s11, s14  }
0x14: {  	s11 =	simm.s32 $0x0;
	[tilespmem:s14+$0x10080] =	vst v0  }
0x15: {  	[tilespmem:s14+$0x10000] =	vst v0  }
0x16: {  	s12 =	simm.s32 $0x0  }
.LBB2_4:
0x17: {  	s13 =	sshll.u32 s12, $0x10  }
0x18: {  	s13 =	sadd.s32 s5, s13  }
0x19: {  	s13 =	sshrl.u32 s13, $0x3  }
0x1a: {  	s13 =	sadd.s32 s2, s13  }
0x1b: {  	[tilespmem:s11], [sflag:$0x1] =	stream.linear.gather [hbm4b:s13+s11], $0x10000, $0x38;
	[tilespmem:$0x11000] =	vst v63  }
0x1c: {  	_ =	swait.ge [sflag:s8], $0x10000  }
0x1d: {  	[sflag:s8] =	ssyncset.done $0x0  }
0x1e: {  	s13 =	simm.s32 $0x0;
	[sflag:s8] =	ssyncadd.s32 $0xFFFF0000  }
.LBB2_5:
0x1f: {  	s14 =	sshll.u32 s13, $0x4  }
0x20: {  	s14 =	sand.u32 $0x70, s14  }
0x21: {  	v1 =	vmov s14  }
0x22: {  	s15 =	sshll.u32 s13, $0x7;
	s16 =	simm.s32 $0x0  }
0x23: {  	s15 =	sand.u32 $0x3C00, s15;
	s17 =	sand.u32 $0xC000, s16  }
0x24: {  	s16 =	sand.u32 $0x380, s16;
	s17 =	sor.u32 s17, s15  }
0x25: {  	s17 =	sadd.s32 s16, s17  }
0x26: {  	v3 =	vld.idx.msk [tilespmem:v1+s17+$0x0 ss:$0x1], $0xffff  }
0x27: {  	v2 =	vimm.f32 $0.0e+00;
	v4 =	vimm.f32 $0.0e+00;
	s16 =	simm.s32 $0x800;
	s17 =	simm.s32 $0x80  }
.LBB2_6:
0x28: {  	s18 =	sand.u32 $0xC000, s16;
	p0 =	sne.s32 s16, $0xF800;
	s16 =	sadd.s32 $0x800, s16  }
.Ltmp1:
0x29: {  	s19 =	sand.u32 $0x380, s17;
	s18 =	sor.u32 s18, s15;
	(pc) =	sbr.rel @p0 .LBB2_6-.Ltmp1, $3  }
0x2a: {  	s18 =	sadd.s32 s19, s18  }
0x2b: {  	v2 =	vadd.f32 v3, v2;
	v5 =	vmul.f32 v3, v3;
	v3 =	vld.idx.msk [tilespmem:v1+s18+$0x0 ss:$0x1], $0xffff;
	_ =	sdelay $0x1  }
0x2c: {  	s17 =	sadd.s32 $0x80, s17;
	v4 =	vadd.f32 v5, v4  }
0x2d: {  	s15 =	sshll.u32 s13, $0x5  }
0x2e: {  	s15 =	sand.u32 $0xF00, s15  }
0x2f: {  	s14 =	sor.u32 s14, s15  }
0x30: {  	v1 =	vld [tilespmem:s14+$0x10000]  }
0x31: {  	v5 =	vld [tilespmem:s14+$0x10080]  }
0x32: {  	s13 =	sadd.s32 $0x1, s13;
	v6 =	vmul.f32 v3, v3  }
0x33: {  	p0 =	sne.s32 s13, $0x80;
	v2 =	vadd.f32 v3, v2  }
.Ltmp2:
0x34: {  	v3 =	vadd.f32 v6, v4;
	(pc) =	sbr.rel @p0 .LBB2_5-.Ltmp2, $4  }
0x35: {  	v1 =	vadd.f32 v1, v2  }
0x36: {  	v2 =	vadd.f32 v5, v3  }
0x37: {  	[tilespmem:s14+$0x10000] =	vst v1  }
0x38: {  	[tilespmem:s14+$0x10080] =	vst v2  }
0x39: {  	s12 =	sadd.s32 $0x1, s12  }
0x3a: {  	p0 =	sne.s32 s12, s4  }
.Ltmp3:
0x3b: {  	_ = 	snop;
	(pc) =	sbr.rel @p0 .LBB2_4-.Ltmp3, $1  }
0x3c: {  	_ =	sdelay $0x3  }
0x3d: {  	s10 =	sadd.s32 $0x1, s10  }
0x3e: {  	p0 =	sne.s32 s10, s7  }
.Ltmp4:
0x3f: {  	_ = 	snop;
	(pc) =	sbr.rel @p0 .LBB2_1-.Ltmp4, $4  }
0x40: {  	[hbm4b:s6+s3] =	stream.linear.scatter [tilespmem:s9], [sflag:$0x1], $0x1000, $0x38;
	[tilespmem:$0x11000] =	vst v63  }
0x41: {  	_ =	swait.ge [sflag:s8], $0x1000  }
0x42: {  	[sflag:s8] =	ssyncset.done $0x0  }
0x43: {  	[sflag:s8] =	ssyncadd.s32 $0xFFFFF000  }
0x44: {  	_ =	sfence.sel $0x180000  }
0x45: {  	[bflag:$0x0] =	sbarrier.arrive $0xFFFF  }
0x46: {  	p0 =	sne.s32 s0, $0x0;
	_ =	strace $0x90000047  }
0x47: {  	s0 =	sadd.s32 @!p0 $0x100000, s1;
	[bflag:$0x2] =	sbarrier.arrive $0xFFFF  }
0x48: {  	[sflag:s0] =	ssyncadd.tile.s32 @!p0 $0x1;
	_ =	shalt  }
.Lfunc_end2:
_tile_overlayer_lowered:
.L_overlay_start_2:
0x49: {  	(tag) =	ssettag $0x2  }
0x4a: {  	s0 =	rddreg [dreg:$0x0];
	s2 =	stileid.u32  }
0x4b: {  	s1 =	rddreg [dreg:$0x1];
	p0 =	sne.s32 s2, $0x0  }
0x4c: {  	s3 =	rddreg [dreg:$0x2];
	[bflag:$0x3] =	sbarrier.arrive $0xFFFF;
	s2 =	simm.s32 @!p0 $0x1C01  }
0x4d: {  	[timem:s3], [sflag:s2] =	dma.local @!p0 [hbm:s0], s1  }
0x4e: {  	s0 =	simm.s32 @!p0 $0x1  }
0x4f: {  	_ =	swait.ge @!p0 [sflag:s0], s1  }
0x50: {  	s1 =	ssub.s32 @!p0 $0x0, s1;
	[sflag:s0] =	ssyncset.done @!p0 $0x0  }
0x51: {  	[sflag:s0] =	ssyncadd.s32 @!p0 s1  }
0x52: {  	[bflag:$0x3] =	sbarrier.arrive $0xFFFF  }
0x53: {  	_ =	shalt  }

</sc_bundles>
